<compile_context>
chip_gen: v7x
topology: tpu7x:2x2x1
jax: 0.10.2.dev20260603
libtpu: 0.0.44.dev20260713+nightly
codegen_flags: <defaults>
</compile_context>

<pallas_src>
import functools

import jax
import jax.numpy as jnp
from jax import lax
from jax.experimental import pallas as pl
from jax.experimental.pallas import tpu as pltpu
from jax.experimental.pallas import tpu_sc as plsc

_NC, _NS = 2, 16
_NW = _NC * _NS
_ROWS, _D = 4096, 1024
_RPW = _ROWS // _NW
_CH = 16
_NCH = _RPW // _CH
_NBUF = 4

_mesh = plsc.VectorSubcoreMesh(core_axis_name="c", subcore_axis_name="s")


@functools.partial(
    pl.kernel,
    out_type=jax.ShapeDtypeStruct((_ROWS, _D), jnp.float32),
    mesh=_mesh,
    scratch_types=(
        [pltpu.VMEM((_CH, _D), jnp.float32)] * _NBUF
        + [pltpu.SemaphoreType.DMA] * _NBUF
        + [pltpu.SemaphoreType.DMA] * _NBUF
    ),
)
def _sc_copy(x_hbm, o_hbm, *scr):
    bufs = scr[:_NBUF]
    lsems = scr[_NBUF:2 * _NBUF]
    ssems = scr[2 * _NBUF:]
    wid = lax.axis_index("s") * _NC + lax.axis_index("c")
    base = wid * _RPW

    loads = {}
    stores = {}
    for i in range(min(_NBUF, _NCH)):
        loads[i] = pltpu.async_copy(
            x_hbm.at[pl.ds(base + i * _CH, _CH), :], bufs[i], lsems[i]
        )
    for i in range(_NCH):
        b = i % _NBUF
        loads[i].wait()
        stores[i] = pltpu.async_copy(
            bufs[b], o_hbm.at[pl.ds(base + i * _CH, _CH), :], ssems[b]
        )
        j = i + _NBUF
        if j < _NCH:
            stores[i].wait()
            loads[j] = pltpu.async_copy(
                x_hbm.at[pl.ds(base + j * _CH, _CH), :], bufs[b], lsems[b]
            )
    for i in range(max(0, _NCH - _NBUF), _NCH):
        stores[i].wait()


def kernel(x):
    b, s, d = x.shape
    out = _sc_copy(x.reshape(_ROWS, _D))
    return out.reshape(b, s, d)

# --- scband reference (transcript-rebuilt; emitter-appended) ---
"""Pipeline reference for scband-compressed-activation-69380901700186 (READ-ONLY COPY).

The authoritative reference and input builder live on the scoring server;
editing this copy changes nothing except your own understanding.
"""

import jax, jax.numpy as jnp
import numpy as np


def setup_inputs(seed: int = 0) -> dict:
    key = jax.random.key(seed)
    x = jax.random.normal(key, (2, 2048, 1024), dtype=jnp.float32)
    return {"x": x}


def reference(x):
    # Faithful translation of CompressedActivation.forward in training mode:
    # the compressor ('simple' method) computes sparsity, extracts non-zero
    # values and their indices (side-effect state in torch), and the module
    # returns the input tensor unchanged.
    sparsity = jnp.mean((x == 0).astype(jnp.float32))
    mask = x != 0
    values = jnp.where(mask, x, 0.0)
    indices = jnp.argwhere(mask, size=mask.size, fill_value=0)
    # forward output is the (uncompressed) input tensor
    return x

if __name__ == "__main__":
    import jax
    _d = setup_inputs()
    print(jax.jit(kernel)(*tuple(_d.values())))

</pallas_src>

<mosaic_0001>
#map = affine_map<(d0, d1) -> (0, 0)>
module attributes {stable_mosaic.version = 14 : i64} {
  func.func @_sc_copy(%arg0: i32, %arg1: i32, %arg2: memref<4096x1024xf32, #tpu.memory_space<hbm>>, %arg3: memref<4096x1024xf32, #tpu.memory_space<hbm>>, %arg4: memref<16x1024xf32, #tpu.memory_space<vmem>>, %arg5: memref<16x1024xf32, #tpu.memory_space<vmem>>, %arg6: memref<16x1024xf32, #tpu.memory_space<vmem>>, %arg7: memref<16x1024xf32, #tpu.memory_space<vmem>>, %arg8: memref<!tpu.dma_semaphore, #tpu.memory_space<semaphore_mem>>, %arg9: memref<!tpu.dma_semaphore, #tpu.memory_space<semaphore_mem>>, %arg10: memref<!tpu.dma_semaphore, #tpu.memory_space<semaphore_mem>>, %arg11: memref<!tpu.dma_semaphore, #tpu.memory_space<semaphore_mem>>, %arg12: memref<!tpu.dma_semaphore, #tpu.memory_space<semaphore_mem>>, %arg13: memref<!tpu.dma_semaphore, #tpu.memory_space<semaphore_mem>>, %arg14: memref<!tpu.dma_semaphore, #tpu.memory_space<semaphore_mem>>, %arg15: memref<!tpu.dma_semaphore, #tpu.memory_space<semaphore_mem>>) attributes {dimension_semantics = [#tpu.dimension_semantics<core_parallel>, #tpu.dimension_semantics<subcore_parallel>], iteration_bounds = array<i64: 2, 16>, scalar_prefetch = 0 : i64, scratch_operands = 12 : i64, tpu.core_type = #tpu.core_type<sc_vector_subcore>, window_params = [{transform_indices = #map}, {transform_indices = #map}]} {
    %mul3A = arith.constant 2 : i32
    %mul3A_0 = arith.muli %arg1, %mul3A : i32
    %add3A = arith.addi %mul3A_0, %arg0 : i32
    %mul3A_1 = arith.constant 128 : i32
    %mul3A_2 = arith.muli %add3A, %mul3A_1 : i32
    %add3A_3 = arith.constant 0 : i32
    %add3A_4 = arith.addi %mul3A_2, %add3A_3 : i32
    %dma_start3A = arith.constant 0 : i32
    %dma_start3A_5 = tpu.memref_slice %arg2[%add3A_4, %dma_start3A] : memref<4096x1024xf32, #tpu.memory_space<hbm>> -> memref<16x1024xf32, #tpu.memory_space<hbm>>
    %dma_start3A_6 = arith.constant 0 : i32
    %dma_start3A_7 = tpu.memref_slice %arg2[%add3A_4, %dma_start3A_6] : memref<4096x1024xf32, #tpu.memory_space<hbm>> -> memref<16x1024xf32, #tpu.memory_space<hbm>>
    tpu.enqueue_dma source(%dma_start3A_7 : memref<16x1024xf32, #tpu.memory_space<hbm>>) target(%arg4 : memref<16x1024xf32, #tpu.memory_space<vmem>>) target_semaphore(%arg8 : memref<!tpu.dma_semaphore, #tpu.memory_space<semaphore_mem>>)
    %add3A_8 = arith.constant 16 : i32
    %add3A_9 = arith.addi %mul3A_2, %add3A_8 : i32
    %dma_start3A_10 = arith.constant 0 : i32
    %dma_start3A_11 = tpu.memref_slice %arg2[%add3A_9, %dma_start3A_10] : memref<4096x1024xf32, #tpu.memory_space<hbm>> -> memref<16x1024xf32, #tpu.memory_space<hbm>>
    %dma_start3A_12 = arith.constant 0 : i32
    %dma_start3A_13 = tpu.memref_slice %arg2[%add3A_9, %dma_start3A_12] : memref<4096x1024xf32, #tpu.memory_space<hbm>> -> memref<16x1024xf32, #tpu.memory_space<hbm>>
    tpu.enqueue_dma source(%dma_start3A_13 : memref<16x1024xf32, #tpu.memory_space<hbm>>) target(%arg5 : memref<16x1024xf32, #tpu.memory_space<vmem>>) target_semaphore(%arg9 : memref<!tpu.dma_semaphore, #tpu.memory_space<semaphore_mem>>)
    %add3A_14 = arith.constant 32 : i32
    %add3A_15 = arith.addi %mul3A_2, %add3A_14 : i32
    %dma_start3A_16 = arith.constant 0 : i32
    %dma_start3A_17 = tpu.memref_slice %arg2[%add3A_15, %dma_start3A_16] : memref<4096x1024xf32, #tpu.memory_space<hbm>> -> memref<16x1024xf32, #tpu.memory_space<hbm>>
    %dma_start3A_18 = arith.constant 0 : i32
    %dma_start3A_19 = tpu.memref_slice %arg2[%add3A_15, %dma_start3A_18] : memref<4096x1024xf32, #tpu.memory_space<hbm>> -> memref<16x1024xf32, #tpu.memory_space<hbm>>
    tpu.enqueue_dma source(%dma_start3A_19 : memref<16x1024xf32, #tpu.memory_space<hbm>>) target(%arg6 : memref<16x1024xf32, #tpu.memory_space<vmem>>) target_semaphore(%arg10 : memref<!tpu.dma_semaphore, #tpu.memory_space<semaphore_mem>>)
    %add3A_20 = arith.constant 48 : i32
    %add3A_21 = arith.addi %mul3A_2, %add3A_20 : i32
    %dma_start3A_22 = arith.constant 0 : i32
    %dma_start3A_23 = tpu.memref_slice %arg2[%add3A_21, %dma_start3A_22] : memref<4096x1024xf32, #tpu.memory_space<hbm>> -> memref<16x1024xf32, #tpu.memory_space<hbm>>
    %dma_start3A_24 = arith.constant 0 : i32
    %dma_start3A_25 = tpu.memref_slice %arg2[%add3A_21, %dma_start3A_24] : memref<4096x1024xf32, #tpu.memory_space<hbm>> -> memref<16x1024xf32, #tpu.memory_space<hbm>>
    tpu.enqueue_dma source(%dma_start3A_25 : memref<16x1024xf32, #tpu.memory_space<hbm>>) target(%arg7 : memref<16x1024xf32, #tpu.memory_space<vmem>>) target_semaphore(%arg11 : memref<!tpu.dma_semaphore, #tpu.memory_space<semaphore_mem>>)
    %dma_wait3A = arith.constant 0 : i32
    %dma_wait3A_26 = tpu.memref_slice %arg2[%add3A_4, %dma_wait3A] : memref<4096x1024xf32, #tpu.memory_space<hbm>> -> memref<16x1024xf32, #tpu.memory_space<hbm>>
    %dma_wait3A_27 = arith.constant 0 : i32
    %dma_wait3A_28 = tpu.memref_slice %arg2[%add3A_4, %dma_wait3A_27] : memref<4096x1024xf32, #tpu.memory_space<hbm>> -> memref<16x1024xf32, #tpu.memory_space<hbm>>
    tpu.wait_dma2 semaphore(%arg8 : memref<!tpu.dma_semaphore, #tpu.memory_space<semaphore_mem>>) src(%dma_wait3A_28 : memref<16x1024xf32, #tpu.memory_space<hbm>>) dst(%arg4 : memref<16x1024xf32, #tpu.memory_space<vmem>>)
    %add3A_29 = arith.constant 0 : i32
    %add3A_30 = arith.addi %mul3A_2, %add3A_29 : i32
    %dma_start3A_31 = arith.constant 0 : i32
    %dma_start3A_32 = tpu.memref_slice %arg3[%add3A_30, %dma_start3A_31] : memref<4096x1024xf32, #tpu.memory_space<hbm>> -> memref<16x1024xf32, #tpu.memory_space<hbm>>
    %dma_start3A_33 = arith.constant 0 : i32
    %dma_start3A_34 = tpu.memref_slice %arg3[%add3A_30, %dma_start3A_33] : memref<4096x1024xf32, #tpu.memory_space<hbm>> -> memref<16x1024xf32, #tpu.memory_space<hbm>>
    tpu.enqueue_dma source(%arg4 : memref<16x1024xf32, #tpu.memory_space<vmem>>) target(%dma_start3A_34 : memref<16x1024xf32, #tpu.memory_space<hbm>>) target_semaphore(%arg12 : memref<!tpu.dma_semaphore, #tpu.memory_space<semaphore_mem>>)
    %dma_wait3A_35 = arith.constant 0 : i32
    %dma_wait3A_36 = tpu.memref_slice %arg3[%add3A_30, %dma_wait3A_35] : memref<4096x1024xf32, #tpu.memory_space<hbm>> -> memref<16x1024xf32, #tpu.memory_space<hbm>>
    %dma_wait3A_37 = arith.constant 0 : i32
    %dma_wait3A_38 = tpu.memref_slice %arg3[%add3A_30, %dma_wait3A_37] : memref<4096x1024xf32, #tpu.memory_space<hbm>> -> memref<16x1024xf32, #tpu.memory_space<hbm>>
    tpu.wait_dma2 semaphore(%arg12 : memref<!tpu.dma_semaphore, #tpu.memory_space<semaphore_mem>>) src(%arg4 : memref<16x1024xf32, #tpu.memory_space<vmem>>) dst(%dma_wait3A_38 : memref<16x1024xf32, #tpu.memory_space<hbm>>)
    %add3A_39 = arith.constant 64 : i32
    %add3A_40 = arith.addi %mul3A_2, %add3A_39 : i32
    %dma_start3A_41 = arith.constant 0 : i32
    %dma_start3A_42 = tpu.memref_slice %arg2[%add3A_40, %dma_start3A_41] : memref<4096x1024xf32, #tpu.memory_space<hbm>> -> memref<16x1024xf32, #tpu.memory_space<hbm>>
    %dma_start3A_43 = arith.constant 0 : i32
    %dma_start3A_44 = tpu.memref_slice %arg2[%add3A_40, %dma_start3A_43] : memref<4096x1024xf32, #tpu.memory_space<hbm>> -> memref<16x1024xf32, #tpu.memory_space<hbm>>
    tpu.enqueue_dma source(%dma_start3A_44 : memref<16x1024xf32, #tpu.memory_space<hbm>>) target(%arg4 : memref<16x1024xf32, #tpu.memory_space<vmem>>) target_semaphore(%arg8 : memref<!tpu.dma_semaphore, #tpu.memory_space<semaphore_mem>>)
    %dma_wait3A_45 = arith.constant 0 : i32
    %dma_wait3A_46 = tpu.memref_slice %arg2[%add3A_9, %dma_wait3A_45] : memref<4096x1024xf32, #tpu.memory_space<hbm>> -> memref<16x1024xf32, #tpu.memory_space<hbm>>
    %dma_wait3A_47 = arith.constant 0 : i32
    %dma_wait3A_48 = tpu.memref_slice %arg2[%add3A_9, %dma_wait3A_47] : memref<4096x1024xf32, #tpu.memory_space<hbm>> -> memref<16x1024xf32, #tpu.memory_space<hbm>>
    tpu.wait_dma2 semaphore(%arg9 : memref<!tpu.dma_semaphore, #tpu.memory_space<semaphore_mem>>) src(%dma_wait3A_48 : memref<16x1024xf32, #tpu.memory_space<hbm>>) dst(%arg5 : memref<16x1024xf32, #tpu.memory_space<vmem>>)
    %add3A_49 = arith.constant 16 : i32
    %add3A_50 = arith.addi %mul3A_2, %add3A_49 : i32
    %dma_start3A_51 = arith.constant 0 : i32
    %dma_start3A_52 = tpu.memref_slice %arg3[%add3A_50, %dma_start3A_51] : memref<4096x1024xf32, #tpu.memory_space<hbm>> -> memref<16x1024xf32, #tpu.memory_space<hbm>>
    %dma_start3A_53 = arith.constant 0 : i32
    %dma_start3A_54 = tpu.memref_slice %arg3[%add3A_50, %dma_start3A_53] : memref<4096x1024xf32, #tpu.memory_space<hbm>> -> memref<16x1024xf32, #tpu.memory_space<hbm>>
    tpu.enqueue_dma source(%arg5 : memref<16x1024xf32, #tpu.memory_space<vmem>>) target(%dma_start3A_54 : memref<16x1024xf32, #tpu.memory_space<hbm>>) target_semaphore(%arg13 : memref<!tpu.dma_semaphore, #tpu.memory_space<semaphore_mem>>)
    %dma_wait3A_55 = arith.constant 0 : i32
    %dma_wait3A_56 = tpu.memref_slice %arg3[%add3A_50, %dma_wait3A_55] : memref<4096x1024xf32, #tpu.memory_space<hbm>> -> memref<16x1024xf32, #tpu.memory_space<hbm>>
    %dma_wait3A_57 = arith.constant 0 : i32
    %dma_wait3A_58 = tpu.memref_slice %arg3[%add3A_50, %dma_wait3A_57] : memref<4096x1024xf32, #tpu.memory_space<hbm>> -> memref<16x1024xf32, #tpu.memory_space<hbm>>
    tpu.wait_dma2 semaphore(%arg13 : memref<!tpu.dma_semaphore, #tpu.memory_space<semaphore_mem>>) src(%arg5 : memref<16x1024xf32, #tpu.memory_space<vmem>>) dst(%dma_wait3A_58 : memref<16x1024xf32, #tpu.memory_space<hbm>>)
    %add3A_59 = arith.constant 80 : i32
    %add3A_60 = arith.addi %mul3A_2, %add3A_59 : i32
    %dma_start3A_61 = arith.constant 0 : i32
    %dma_start3A_62 = tpu.memref_slice %arg2[%add3A_60, %dma_start3A_61] : memref<4096x1024xf32, #tpu.memory_space<hbm>> -> memref<16x1024xf32, #tpu.memory_space<hbm>>
    %dma_start3A_63 = arith.constant 0 : i32
    %dma_start3A_64 = tpu.memref_slice %arg2[%add3A_60, %dma_start3A_63] : memref<4096x1024xf32, #tpu.memory_space<hbm>> -> memref<16x1024xf32, #tpu.memory_space<hbm>>
    tpu.enqueue_dma source(%dma_start3A_64 : memref<16x1024xf32, #tpu.memory_space<hbm>>) target(%arg5 : memref<16x1024xf32, #tpu.memory_space<vmem>>) target_semaphore(%arg9 : memref<!tpu.dma_semaphore, #tpu.memory_space<semaphore_mem>>)
    %dma_wait3A_65 = arith.constant 0 : i32
    %dma_wait3A_66 = tpu.memref_slice %arg2[%add3A_15, %dma_wait3A_65] : memref<4096x1024xf32, #tpu.memory_space<hbm>> -> memref<16x1024xf32, #tpu.memory_space<hbm>>
    %dma_wait3A_67 = arith.constant 0 : i32
    %dma_wait3A_68 = tpu.memref_slice %arg2[%add3A_15, %dma_wait3A_67] : memref<4096x1024xf32, #tpu.memory_space<hbm>> -> memref<16x1024xf32, #tpu.memory_space<hbm>>
    tpu.wait_dma2 semaphore(%arg10 : memref<!tpu.dma_semaphore, #tpu.memory_space<semaphore_mem>>) src(%dma_wait3A_68 : memref<16x1024xf32, #tpu.memory_space<hbm>>) dst(%arg6 : memref<16x1024xf32, #tpu.memory_space<vmem>>)
    %add3A_69 = arith.constant 32 : i32
    %add3A_70 = arith.addi %mul3A_2, %add3A_69 : i32
    %dma_start3A_71 = arith.constant 0 : i32
    %dma_start3A_72 = tpu.memref_slice %arg3[%add3A_70, %dma_start3A_71] : memref<4096x1024xf32, #tpu.memory_space<hbm>> -> memref<16x1024xf32, #tpu.memory_space<hbm>>
    %dma_start3A_73 = arith.constant 0 : i32
    %dma_start3A_74 = tpu.memref_slice %arg3[%add3A_70, %dma_start3A_73] : memref<4096x1024xf32, #tpu.memory_space<hbm>> -> memref<16x1024xf32, #tpu.memory_space<hbm>>
    tpu.enqueue_dma source(%arg6 : memref<16x1024xf32, #tpu.memory_space<vmem>>) target(%dma_start3A_74 : memref<16x1024xf32, #tpu.memory_space<hbm>>) target_semaphore(%arg14 : memref<!tpu.dma_semaphore, #tpu.memory_space<semaphore_mem>>)
    %dma_wait3A_75 = arith.constant 0 : i32
    %dma_wait3A_76 = tpu.memref_slice %arg3[%add3A_70, %dma_wait3A_75] : memref<4096x1024xf32, #tpu.memory_space<hbm>> -> memref<16x1024xf32, #tpu.memory_space<hbm>>
    %dma_wait3A_77 = arith.constant 0 : i32
    %dma_wait3A_78 = tpu.memref_slice %arg3[%add3A_70, %dma_wait3A_77] : memref<4096x1024xf32, #tpu.memory_space<hbm>> -> memref<16x1024xf32, #tpu.memory_space<hbm>>
    tpu.wait_dma2 semaphore(%arg14 : memref<!tpu.dma_semaphore, #tpu.memory_space<semaphore_mem>>) src(%arg6 : memref<16x1024xf32, #tpu.memory_space<vmem>>) dst(%dma_wait3A_78 : memref<16x1024xf32, #tpu.memory_space<hbm>>)
    %add3A_79 = arith.constant 96 : i32
    %add3A_80 = arith.addi %mul3A_2, %add3A_79 : i32
    %dma_start3A_81 = arith.constant 0 : i32
    %dma_start3A_82 = tpu.memref_slice %arg2[%add3A_80, %dma_start3A_81] : memref<4096x1024xf32, #tpu.memory_space<hbm>> -> memref<16x1024xf32, #tpu.memory_space<hbm>>
    %dma_start3A_83 = arith.constant 0 : i32
    %dma_start3A_84 = tpu.memref_slice %arg2[%add3A_80, %dma_start3A_83] : memref<4096x1024xf32, #tpu.memory_space<hbm>> -> memref<16x1024xf32, #tpu.memory_space<hbm>>
    tpu.enqueue_dma source(%dma_start3A_84 : memref<16x1024xf32, #tpu.memory_space<hbm>>) target(%arg6 : memref<16x1024xf32, #tpu.memory_space<vmem>>) target_semaphore(%arg10 : memref<!tpu.dma_semaphore, #tpu.memory_space<semaphore_mem>>)
    %dma_wait3A_85 = arith.constant 0 : i32
    %dma_wait3A_86 = tpu.memref_slice %arg2[%add3A_21, %dma_wait3A_85] : memref<4096x1024xf32, #tpu.memory_space<hbm>> -> memref<16x1024xf32, #tpu.memory_space<hbm>>
    %dma_wait3A_87 = arith.constant 0 : i32
    %dma_wait3A_88 = tpu.memref_slice %arg2[%add3A_21, %dma_wait3A_87] : memref<4096x1024xf32, #tpu.memory_space<hbm>> -> memref<16x1024xf32, #tpu.memory_space<hbm>>
    tpu.wait_dma2 semaphore(%arg11 : memref<!tpu.dma_semaphore, #tpu.memory_space<semaphore_mem>>) src(%dma_wait3A_88 : memref<16x1024xf32, #tpu.memory_space<hbm>>) dst(%arg7 : memref<16x1024xf32, #tpu.memory_space<vmem>>)
    %add3A_89 = arith.constant 48 : i32
    %add3A_90 = arith.addi %mul3A_2, %add3A_89 : i32
    %dma_start3A_91 = arith.constant 0 : i32
    %dma_start3A_92 = tpu.memref_slice %arg3[%add3A_90, %dma_start3A_91] : memref<4096x1024xf32, #tpu.memory_space<hbm>> -> memref<16x1024xf32, #tpu.memory_space<hbm>>
    %dma_start3A_93 = arith.constant 0 : i32
    %dma_start3A_94 = tpu.memref_slice %arg3[%add3A_90, %dma_start3A_93] : memref<4096x1024xf32, #tpu.memory_space<hbm>> -> memref<16x1024xf32, #tpu.memory_space<hbm>>
    tpu.enqueue_dma source(%arg7 : memref<16x1024xf32, #tpu.memory_space<vmem>>) target(%dma_start3A_94 : memref<16x1024xf32, #tpu.memory_space<hbm>>) target_semaphore(%arg15 : memref<!tpu.dma_semaphore, #tpu.memory_space<semaphore_mem>>)
    %dma_wait3A_95 = arith.constant 0 : i32
    %dma_wait3A_96 = tpu.memref_slice %arg3[%add3A_90, %dma_wait3A_95] : memref<4096x1024xf32, #tpu.memory_space<hbm>> -> memref<16x1024xf32, #tpu.memory_space<hbm>>
    %dma_wait3A_97 = arith.constant 0 : i32
    %dma_wait3A_98 = tpu.memref_slice %arg3[%add3A_90, %dma_wait3A_97] : memref<4096x1024xf32, #tpu.memory_space<hbm>> -> memref<16x1024xf32, #tpu.memory_space<hbm>>
    tpu.wait_dma2 semaphore(%arg15 : memref<!tpu.dma_semaphore, #tpu.memory_space<semaphore_mem>>) src(%arg7 : memref<16x1024xf32, #tpu.memory_space<vmem>>) dst(%dma_wait3A_98 : memref<16x1024xf32, #tpu.memory_space<hbm>>)
    %add3A_99 = arith.constant 112 : i32
    %add3A_100 = arith.addi %mul3A_2, %add3A_99 : i32
    %dma_start3A_101 = arith.constant 0 : i32
    %dma_start3A_102 = tpu.memref_slice %arg2[%add3A_100, %dma_start3A_101] : memref<4096x1024xf32, #tpu.memory_space<hbm>> -> memref<16x1024xf32, #tpu.memory_space<hbm>>
    %dma_start3A_103 = arith.constant 0 : i32
    %dma_start3A_104 = tpu.memref_slice %arg2[%add3A_100, %dma_start3A_103] : memref<4096x1024xf32, #tpu.memory_space<hbm>> -> memref<16x1024xf32, #tpu.memory_space<hbm>>
    tpu.enqueue_dma source(%dma_start3A_104 : memref<16x1024xf32, #tpu.memory_space<hbm>>) target(%arg7 : memref<16x1024xf32, #tpu.memory_space<vmem>>) target_semaphore(%arg11 : memref<!tpu.dma_semaphore, #tpu.memory_space<semaphore_mem>>)
    %dma_wait3A_105 = arith.constant 0 : i32
    %dma_wait3A_106 = tpu.memref_slice %arg2[%add3A_40, %dma_wait3A_105] : memref<4096x1024xf32, #tpu.memory_space<hbm>> -> memref<16x1024xf32, #tpu.memory_space<hbm>>
    %dma_wait3A_107 = arith.constant 0 : i32
    %dma_wait3A_108 = tpu.memref_slice %arg2[%add3A_40, %dma_wait3A_107] : memref<4096x1024xf32, #tpu.memory_space<hbm>> -> memref<16x1024xf32, #tpu.memory_space<hbm>>
    tpu.wait_dma2 semaphore(%arg8 : memref<!tpu.dma_semaphore, #tpu.memory_space<semaphore_mem>>) src(%dma_wait3A_108 : memref<16x1024xf32, #tpu.memory_space<hbm>>) dst(%arg4 : memref<16x1024xf32, #tpu.memory_space<vmem>>)
    %add3A_109 = arith.constant 64 : i32
    %add3A_110 = arith.addi %mul3A_2, %add3A_109 : i32
    %dma_start3A_111 = arith.constant 0 : i32
    %dma_start3A_112 = tpu.memref_slice %arg3[%add3A_110, %dma_start3A_111] : memref<4096x1024xf32, #tpu.memory_space<hbm>> -> memref<16x1024xf32, #tpu.memory_space<hbm>>
    %dma_start3A_113 = arith.constant 0 : i32
    %dma_start3A_114 = tpu.memref_slice %arg3[%add3A_110, %dma_start3A_113] : memref<4096x1024xf32, #tpu.memory_space<hbm>> -> memref<16x1024xf32, #tpu.memory_space<hbm>>
    tpu.enqueue_dma source(%arg4 : memref<16x1024xf32, #tpu.memory_space<vmem>>) target(%dma_start3A_114 : memref<16x1024xf32, #tpu.memory_space<hbm>>) target_semaphore(%arg12 : memref<!tpu.dma_semaphore, #tpu.memory_space<semaphore_mem>>)
    %dma_wait3A_115 = arith.constant 0 : i32
    %dma_wait3A_116 = tpu.memref_slice %arg2[%add3A_60, %dma_wait3A_115] : memref<4096x1024xf32, #tpu.memory_space<hbm>> -> memref<16x1024xf32, #tpu.memory_space<hbm>>
    %dma_wait3A_117 = arith.constant 0 : i32
    %dma_wait3A_118 = tpu.memref_slice %arg2[%add3A_60, %dma_wait3A_117] : memref<4096x1024xf32, #tpu.memory_space<hbm>> -> memref<16x1024xf32, #tpu.memory_space<hbm>>
    tpu.wait_dma2 semaphore(%arg9 : memref<!tpu.dma_semaphore, #tpu.memory_space<semaphore_mem>>) src(%dma_wait3A_118 : memref<16x1024xf32, #tpu.memory_space<hbm>>) dst(%arg5 : memref<16x1024xf32, #tpu.memory_space<vmem>>)
    %add3A_119 = arith.constant 80 : i32
    %add3A_120 = arith.addi %mul3A_2, %add3A_119 : i32
    %dma_start3A_121 = arith.constant 0 : i32
    %dma_start3A_122 = tpu.memref_slice %arg3[%add3A_120, %dma_start3A_121] : memref<4096x1024xf32, #tpu.memory_space<hbm>> -> memref<16x1024xf32, #tpu.memory_space<hbm>>
    %dma_start3A_123 = arith.constant 0 : i32
    %dma_start3A_124 = tpu.memref_slice %arg3[%add3A_120, %dma_start3A_123] : memref<4096x1024xf32, #tpu.memory_space<hbm>> -> memref<16x1024xf32, #tpu.memory_space<hbm>>
    tpu.enqueue_dma source(%arg5 : memref<16x1024xf32, #tpu.memory_space<vmem>>) target(%dma_start3A_124 : memref<16x1024xf32, #tpu.memory_space<hbm>>) target_semaphore(%arg13 : memref<!tpu.dma_semaphore, #tpu.memory_space<semaphore_mem>>)
    %dma_wait3A_125 = arith.constant 0 : i32
    %dma_wait3A_126 = tpu.memref_slice %arg2[%add3A_80, %dma_wait3A_125] : memref<4096x1024xf32, #tpu.memory_space<hbm>> -> memref<16x1024xf32, #tpu.memory_space<hbm>>
    %dma_wait3A_127 = arith.constant 0 : i32
    %dma_wait3A_128 = tpu.memref_slice %arg2[%add3A_80, %dma_wait3A_127] : memref<4096x1024xf32, #tpu.memory_space<hbm>> -> memref<16x1024xf32, #tpu.memory_space<hbm>>
    tpu.wait_dma2 semaphore(%arg10 : memref<!tpu.dma_semaphore, #tpu.memory_space<semaphore_mem>>) src(%dma_wait3A_128 : memref<16x1024xf32, #tpu.memory_space<hbm>>) dst(%arg6 : memref<16x1024xf32, #tpu.memory_space<vmem>>)
    %add3A_129 = arith.constant 96 : i32
    %add3A_130 = arith.addi %mul3A_2, %add3A_129 : i32
    %dma_start3A_131 = arith.constant 0 : i32
    %dma_start3A_132 = tpu.memref_slice %arg3[%add3A_130, %dma_start3A_131] : memref<4096x1024xf32, #tpu.memory_space<hbm>> -> memref<16x1024xf32, #tpu.memory_space<hbm>>
    %dma_start3A_133 = arith.constant 0 : i32
    %dma_start3A_134 = tpu.memref_slice %arg3[%add3A_130, %dma_start3A_133] : memref<4096x1024xf32, #tpu.memory_space<hbm>> -> memref<16x1024xf32, #tpu.memory_space<hbm>>
    tpu.enqueue_dma source(%arg6 : memref<16x1024xf32, #tpu.memory_space<vmem>>) target(%dma_start3A_134 : memref<16x1024xf32, #tpu.memory_space<hbm>>) target_semaphore(%arg14 : memref<!tpu.dma_semaphore, #tpu.memory_space<semaphore_mem>>)
    %dma_wait3A_135 = arith.constant 0 : i32
    %dma_wait3A_136 = tpu.memref_slice %arg2[%add3A_100, %dma_wait3A_135] : memref<4096x1024xf32, #tpu.memory_space<hbm>> -> memref<16x1024xf32, #tpu.memory_space<hbm>>
    %dma_wait3A_137 = arith.constant 0 : i32
    %dma_wait3A_138 = tpu.memref_slice %arg2[%add3A_100, %dma_wait3A_137] : memref<4096x1024xf32, #tpu.memory_space<hbm>> -> memref<16x1024xf32, #tpu.memory_space<hbm>>
    tpu.wait_dma2 semaphore(%arg11 : memref<!tpu.dma_semaphore, #tpu.memory_space<semaphore_mem>>) src(%dma_wait3A_138 : memref<16x1024xf32, #tpu.memory_space<hbm>>) dst(%arg7 : memref<16x1024xf32, #tpu.memory_space<vmem>>)
    %add3A_139 = arith.constant 112 : i32
    %add3A_140 = arith.addi %mul3A_2, %add3A_139 : i32
    %dma_start3A_141 = arith.constant 0 : i32
    %dma_start3A_142 = tpu.memref_slice %arg3[%add3A_140, %dma_start3A_141] : memref<4096x1024xf32, #tpu.memory_space<hbm>> -> memref<16x1024xf32, #tpu.memory_space<hbm>>
    %dma_start3A_143 = arith.constant 0 : i32
    %dma_start3A_144 = tpu.memref_slice %arg3[%add3A_140, %dma_start3A_143] : memref<4096x1024xf32, #tpu.memory_space<hbm>> -> memref<16x1024xf32, #tpu.memory_space<hbm>>
    tpu.enqueue_dma source(%arg7 : memref<16x1024xf32, #tpu.memory_space<vmem>>) target(%dma_start3A_144 : memref<16x1024xf32, #tpu.memory_space<hbm>>) target_semaphore(%arg15 : memref<!tpu.dma_semaphore, #tpu.memory_space<semaphore_mem>>)
    %dma_wait3A_145 = arith.constant 0 : i32
    %dma_wait3A_146 = tpu.memref_slice %arg3[%add3A_110, %dma_wait3A_145] : memref<4096x1024xf32, #tpu.memory_space<hbm>> -> memref<16x1024xf32, #tpu.memory_space<hbm>>
    %dma_wait3A_147 = arith.constant 0 : i32
    %dma_wait3A_148 = tpu.memref_slice %arg3[%add3A_110, %dma_wait3A_147] : memref<4096x1024xf32, #tpu.memory_space<hbm>> -> memref<16x1024xf32, #tpu.memory_space<hbm>>
    tpu.wait_dma2 semaphore(%arg12 : memref<!tpu.dma_semaphore, #tpu.memory_space<semaphore_mem>>) src(%arg4 : memref<16x1024xf32, #tpu.memory_space<vmem>>) dst(%dma_wait3A_148 : memref<16x1024xf32, #tpu.memory_space<hbm>>)
    %dma_wait3A_149 = arith.constant 0 : i32
    %dma_wait3A_150 = tpu.memref_slice %arg3[%add3A_120, %dma_wait3A_149] : memref<4096x1024xf32, #tpu.memory_space<hbm>> -> memref<16x1024xf32, #tpu.memory_space<hbm>>
    %dma_wait3A_151 = arith.constant 0 : i32
    %dma_wait3A_152 = tpu.memref_slice %arg3[%add3A_120, %dma_wait3A_151] : memref<4096x1024xf32, #tpu.memory_space<hbm>> -> memref<16x1024xf32, #tpu.memory_space<hbm>>
    tpu.wait_dma2 semaphore(%arg13 : memref<!tpu.dma_semaphore, #tpu.memory_space<semaphore_mem>>) src(%arg5 : memref<16x1024xf32, #tpu.memory_space<vmem>>) dst(%dma_wait3A_152 : memref<16x1024xf32, #tpu.memory_space<hbm>>)
    %dma_wait3A_153 = arith.constant 0 : i32
    %dma_wait3A_154 = tpu.memref_slice %arg3[%add3A_130, %dma_wait3A_153] : memref<4096x1024xf32, #tpu.memory_space<hbm>> -> memref<16x1024xf32, #tpu.memory_space<hbm>>
    %dma_wait3A_155 = arith.constant 0 : i32
    %dma_wait3A_156 = tpu.memref_slice %arg3[%add3A_130, %dma_wait3A_155] : memref<4096x1024xf32, #tpu.memory_space<hbm>> -> memref<16x1024xf32, #tpu.memory_space<hbm>>
    tpu.wait_dma2 semaphore(%arg14 : memref<!tpu.dma_semaphore, #tpu.memory_space<semaphore_mem>>) src(%arg6 : memref<16x1024xf32, #tpu.memory_space<vmem>>) dst(%dma_wait3A_156 : memref<16x1024xf32, #tpu.memory_space<hbm>>)
    %dma_wait3A_157 = arith.constant 0 : i32
    %dma_wait3A_158 = tpu.memref_slice %arg3[%add3A_140, %dma_wait3A_157] : memref<4096x1024xf32, #tpu.memory_space<hbm>> -> memref<16x1024xf32, #tpu.memory_space<hbm>>
    %dma_wait3A_159 = arith.constant 0 : i32
    %dma_wait3A_160 = tpu.memref_slice %arg3[%add3A_140, %dma_wait3A_159] : memref<4096x1024xf32, #tpu.memory_space<hbm>> -> memref<16x1024xf32, #tpu.memory_space<hbm>>
    tpu.wait_dma2 semaphore(%arg15 : memref<!tpu.dma_semaphore, #tpu.memory_space<semaphore_mem>>) src(%arg7 : memref<16x1024xf32, #tpu.memory_space<vmem>>) dst(%dma_wait3A_160 : memref<16x1024xf32, #tpu.memory_space<hbm>>)
    return
  }
}

</mosaic_0001>

<sc_bundles>
// kernel: kernel.3.cloned.1.call-start
scs
__scs_entry_jumppad:
0x0: {  	(pc) =	sbr.rel $0x88, $3  }
0x1: {  	(tag) =	ssettag $0x0;
	lr =	simm.s32 $0x1  }
0x2: {  	[smem:$0x3FA0] =	sst lr;
	_ =	strace $0xD0000000  }
0x3: {  	_ = 	snop  }
0x4: {  	_ = 	snop  }
0x5: {  	_ = 	snop  }
0x6: {  	_ = 	snop  }
0x7: {  	_ = 	snop  }
__scs_overlays_trampoline_lowered:
0x8: {  	[smem:$0x3FAF] =	sst s0  }
0x9: {  	[smem:$0x3FB0] =	sst s1  }
0xa: {  	[smem:$0x3FB1] =	sst s2  }
0xb: {  	[smem:$0x3FB2] =	sst s3  }
0xc: {  	[smem:$0x3FB3] =	sst s4  }
0xd: {  	[smem:$0x3FB4] =	sst s5  }
0xe: {  	[smem:$0x3FB5] =	sst s6  }
0xf: {  	[smem:$0x3FB6] =	sst s7  }
0x10: {  	[smem:$0x3FB7] =	sst s8  }
0x11: {  	[smem:$0x3FB8] =	sst s9;
	s0 =	simm.s32 @!p0 $0x0  }
0x12: {  	s1 =	sld [smem:$0x3F9E];
	s0 =	simm.s32 @p0 $0x1  }
0x13: {  	[smem:$0x3FB9] =	sst s0;
	s0 =	simm.s32 @!p1 $0x0  }
0x14: {  	s2 =	sld [smem:$0x3F9D];
	s0 =	simm.s32 @p1 $0x1  }
0x15: {  	[smem:$0x3FBA] =	sst s0;
	s0 =	simm.s32 @!p2 $0x0  }
0x16: {  	s3 =	sld [smem:$0x3FDB];
	s0 =	simm.s32 @p2 $0x1  }
0x17: {  	s4 =	simm.s32 $0x1BF5;
	[smem:$0x3FBC] =	sst s0  }
0x18: {  	s0 =	sld [smem:$0x3F9F];
	_ =	swait.ge [sflag:s4], $0x0  }
0x19: {  	s7 =	sld [smem:$0x3FA0]  }
0x1a: {  	s8 =	sadd.s32 $0xFFFFE003, lr  }
0x1b: {  	s9 =	sadd.s32 $0xFFFFFEF7, lr;
	s5 =	simm.s32 $0xFFFFFFFF;
	p2 =	slt.u32 s8, $0xFFFFF086  }
0x1c: {  	p1 =	slt.u32 s9, $0xF7A;
	s5 =	simm.s32 @!p2 $0x0  }
0x1d: {  	s5 =	simm.s32 @p1 $0x1;
	p0 =	seq.s32 s7, s2  }
0x1e: {  	s7 =	smul.u32 @!p0 $0xF7A, s2;
	p2 =	seq.s32 @!p0 s5, $0x0  }
0x1f: {  	s9 =	smul.u32 $0xF7A, s1;
	s8 =	simm.s32 @!p0 $0x1BF5;
	p2 =	por !p2, p0  }
0x20: {  	[sflag:s8] =	ssyncset.s32 @!p0 $0xFFFFF086;
	s6 =	sadd.s32 @!p0 s3, s7;
	s7 =	simm.s32 @!p0 $0x108  }
0x21: {  	s3 =	sadd.s32 s3, s9;
	s6 =	sadd.s32 @!p0 $0x88, s6;
	s7 =	simm.s32 @p2 $0x1082  }
0x22: {  	[simem:s7], [sflag:s8] =	dma.local @!p0 [hbm:s6], $0xF7A  }
0x23: {  	s9 =	sor.u32 $0xD0000000, s2;
	s6 =	simm.s32 $0x108;
	_ =	swait.ge @!p0 [sflag:s8], $0x0  }
0x24: {  	s3 =	sadd.s32 $0x88, s3;
	s6 =	simm.s32 @!p1 $0x1082;
	[sflag:s4] =	ssyncset.s32 $0xFFFFF086  }
0x25: {  	[simem:s6], [sflag:s4] =	dma.local [hbm:s3], $0xF7A  }
0x26: {  	[smem:$0x3FA0] =	sst s1;
	(tag) =	ssettag s2;
	_ =	strace s9  }
0x27: {  	s1 =	sld [smem:$0x3FB0]  }
0x28: {  	s2 =	sld [smem:$0x3FB1]  }
0x29: {  	s4 =	sld [smem:$0x3FB3]  }
0x2a: {  	p0 =	seq.s32 s5, $0x0;
	s5 =	sld [smem:$0x3FB4]  }
0x2b: {  	s6 =	sld [smem:$0x3FB5]  }
0x2c: {  	s7 =	sld [smem:$0x3FB6]  }
0x2d: {  	s3 =	simm.s32 $0x108;
	s8 =	sld [smem:$0x3FB7]  }
0x2e: {  	s3 =	simm.s32 @!p0 $0x1082;
	s9 =	sld [smem:$0x3FB8]  }
0x2f: {  	lr =	sadd.s32 s0, s3;
	s0 =	sld [smem:$0x3FAF]  }
0x30: {  	s3 =	sld [smem:$0x3FB2]  }
0x31: {  	[smem:$0x3FBB] =	sst s10  }
0x32: {  	s10 =	sld [smem:$0x3FB9];
	_ =	sdelay $0x3  }
0x33: {  	p0 =	seq.s32 s10, $0x1;
	s10 =	sld [smem:$0x3FBB];
	_ =	sdelay $0x3  }
0x34: {  	[smem:$0x3FBB] =	sst s10  }
0x35: {  	s10 =	sld [smem:$0x3FBA];
	_ =	sdelay $0x3  }
0x36: {  	p1 =	seq.s32 s10, $0x1;
	s10 =	sld [smem:$0x3FBB];
	_ =	sdelay $0x3  }
0x37: {  	[smem:$0x3FBB] =	sst s10  }
0x38: {  	s10 =	sld [smem:$0x3FBC]  }
0x39: {  	_ = 	snop;
	(pc) =	sbr.ind lr, $3  }
0x3a: {  	_ = 	snop  }
0x3b: {  	_ = 	snop  }
0x3c: {  	p2 =	seq.s32 s10, $0x1;
	s10 =	sld [smem:$0x3FBB]  }
0x3d: {  	_ =	shalt  }
0x3e: {  	_ =	shalt  }
0x3f: {  	_ =	shalt  }
0x40: {  	_ =	shalt  }
0x41: {  	_ =	shalt  }
0x42: {  	_ =	shalt  }
0x43: {  	_ =	shalt  }
0x44: {  	_ =	shalt  }
0x45: {  	_ =	shalt  }
0x46: {  	_ =	shalt  }
0x47: {  	_ =	shalt  }
0x48: {  	_ =	shalt  }
0x49: {  	_ =	shalt  }
0x4a: {  	_ =	shalt  }
0x4b: {  	_ =	shalt  }
0x4c: {  	_ =	shalt  }
0x4d: {  	_ =	shalt  }
0x4e: {  	_ =	shalt  }
0x4f: {  	_ =	shalt  }
0x50: {  	_ =	shalt  }
0x51: {  	_ =	shalt  }
0x52: {  	_ =	shalt  }
0x53: {  	_ =	shalt  }
0x54: {  	_ =	shalt  }
0x55: {  	_ =	shalt  }
0x56: {  	_ =	shalt  }
0x57: {  	_ =	shalt  }
0x58: {  	_ =	shalt  }
0x59: {  	_ =	shalt  }
0x5a: {  	_ =	shalt  }
0x5b: {  	_ =	shalt  }
0x5c: {  	_ =	shalt  }
0x5d: {  	_ =	shalt  }
0x5e: {  	_ =	shalt  }
0x5f: {  	_ =	shalt  }
0x60: {  	_ =	shalt  }
0x61: {  	_ =	shalt  }
0x62: {  	_ =	shalt  }
0x63: {  	_ =	shalt  }
0x64: {  	_ =	shalt  }
0x65: {  	_ =	shalt  }
0x66: {  	_ =	shalt  }
0x67: {  	_ =	shalt  }
0x68: {  	_ =	shalt  }
0x69: {  	_ =	shalt  }
0x6a: {  	_ =	shalt  }
0x6b: {  	_ =	shalt  }
0x6c: {  	_ =	shalt  }
0x6d: {  	_ =	shalt  }
0x6e: {  	_ =	shalt  }
0x6f: {  	_ =	shalt  }
0x70: {  	_ =	shalt  }
0x71: {  	_ =	shalt  }
0x72: {  	_ =	shalt  }
0x73: {  	_ =	shalt  }
0x74: {  	_ =	shalt  }
0x75: {  	_ =	shalt  }
0x76: {  	_ =	shalt  }
0x77: {  	_ =	shalt  }
0x78: {  	_ =	shalt  }
0x79: {  	_ =	shalt  }
0x7a: {  	_ =	shalt  }
0x7b: {  	_ =	shalt  }
0x7c: {  	_ =	shalt  }
0x7d: {  	_ =	shalt  }
0x7e: {  	_ =	shalt  }
0x7f: {  	_ =	shalt  }
0x80: {  	_ =	shalt  }
0x81: {  	_ =	shalt  }
0x82: {  	_ =	shalt  }
0x83: {  	_ =	shalt  }
0x84: {  	_ =	shalt  }
0x85: {  	_ =	shalt  }
0x86: {  	_ =	shalt  }
0x87: {  	_ =	shalt  }
.Lfunc_end0:
.L_simem_size_0:
called_computation_lowered:
.L_overlay_start_0:
0x88: {  	s2 =	sld [smem:$0x3FD9]  }
0x89: {  	s3 =	sld [smem:$0x3FFE];
	_ =	sdelay $0x1  }
0x8a: {  	s1 =	srdreg.scid  }
0x8b: {  	s0 =	sand.u32 $0x1, s1  }
0x8c: {  	s18 =	sshll.u32 s0, $0xA;
	s2 =	sadd.s32 s3, s2  }
0x8d: {  	s2 =	sadd.s32 s2, s18  }
0x8e: {  	[smem:$0x3FC7] =	sst s2  }
0x8f: {  	_ = 	snop  }
0x90: {  	s2 =	sld [smem:$0x3FC9]  }
0x91: {  	s19 =	sld [smem:$0x3FD0];
	(tm) =	ssettm $0x1  }
0x92: {  	s4 =	sld [smem:$0x3FFB];
	_ =	sdelay $0x3  }
0x93: {  	_ =	strace s4  }
0x94: {  	s4 =	sld [smem:$0x3FFC];
	_ =	sdelay $0x3  }
0x95: {  	_ =	strace s4  }
0x96: {  	s4 =	sld [smem:$0x3FFD];
	_ =	sdelay $0x3  }
0x97: {  	_ =	strace s4  }
0x98: {  	_ =	strace $0x8FFFFFFF  }
0x99: {  	s20 =	sld [smem:$0x3FDB];
	_ =	sdelay $0x1  }
0x9a: {  	s5 =	simm.s32 $_scs_section_size  }
0x9b: {  	s6 =	simm.s32 $_size__tile_overlayer_lowered;
	s7 =	simm.s32 $_tile_overlayer_lowered  }
0x9c: {  	s23 =	simm.s32 $0x1BFF;
	s22 =	sshll.u32 s7, $0x1;
	s4 =	sadd.s32 s5, s20  }
0x9d: {  	s8 =	simm.s32 $0x0;
	s21 =	sshll.u32 s6, $0x1;
	s6 =	sadd.s32 s22, s4  }
0x9e: {  	[timem:s8], [sflag:s23] =	dma.local [hbm:s6], s21  }
0x9f: {  	_ =	swait.ge [sflag:s23], s21  }
0xa0: {  	s5 =	ssub.s32 $0x0, s21;
	[sflag:s23] =	ssyncset.done $0x0  }
0xa1: {  	[sflag:s23] =	ssyncadd.s32 s5;
	_ =	sdelay $0x1  }
0xa2: {  	s24 =	simm.s32 $0x1B8B  }
0xa3: {  	_ =	swait.ge [sflag:s24], $0x1  }
0xa4: {  	[sflag:s24] =	ssyncset.done $0x0  }
0xa5: {  	s25 =	simm.s32 $0x1B8E;
	[sflag:s24] =	ssyncadd.s32 $0xFFFFFFFF  }
0xa6: {  	s26 =	simm.s32 $execute0_lowered;
	[smem:$0x3FD2] =	sst s25  }
0xa7: {  	s5 =	sshll.u32 s26, $0x1;
	_ =	strace $0x80000046;
	[dreg:$0x1] =	wrdreg $0xFFFFFFFF  }
0xa8: {  	s28 =	simm.s32 $_size_execute0_lowered;
	s4 =	sadd.s32 s4, s5;
	[dreg:$0x0] =	wrdreg $0x0  }
0xa9: {  	s5 =	sshll.u32 s28, $0x1;
	[dreg:$0x2] =	wrdreg s4  }
0xaa: {  	[dreg:$0x3] =	wrdreg s5  }
0xab: {  	[dreg:$0x4] =	wrdreg $0xC0  }
0xac: {  	_ =	task [dreg:s8], $0x5FFFF  }
0xad: {  	[dreg:$0x1] =	wrdreg $0xFFFFFFFF  }
0xae: {  	[dreg:$0x0] =	wrdreg $0x60  }
0xaf: {  	[dreg:$0x2] =	wrdreg s2  }
0xb0: {  	[dreg:$0x3] =	wrdreg s19  }
0xb1: {  	[dreg:$0x4] =	wrdreg $0x9  }
0xb2: {  	_ =	task.clear_ibuf [dreg:s8], $0x5FFFF;
	_ =	strace $0x90000046  }
0xb3: {  	s29 =	simm.s32 $0x9;
	_ =	strace $0x80000048  }
0xb4: {  	_ =	swait.ge [sflag:s29], $0x1  }
0xb5: {  	[sflag:s29] =	ssyncadd.s32 $0xFFFFFFFF  }
0xb6: {  	_ =	strace $0x90000048  }
0xb7: {  	_ =	sfence  }
0xb8: {  	s30 =	sld [smem:$0x0];
	_ =	sdelay $0x2  }
0xb9: {  	s31 =	sshll.u32 s1, $0xD;
	s1 =	sshrl.u32 s1, $0x2  }
0xba: {  	s3 =	sand.u32 $0x4000, s31;
	s1 =	sadd.s32 s1, s30  }
0xbb: {  	s0 =	sor.u32 s3, s0;
	s1 =	sshll.u32 s1, $0x11  }
0xbc: {  	s0 =	sor.u32 s1, s0  }
0xbd: {  	s0 =	sadd.s32 $0x8F2B, s0  }
0xbe: {  	[sflag:s0] =	ssyncadd.remote.s32 $0x1  }
0xbf: {  	_ =	sfence.sel $0xFFFF  }
0xc0: {  	[dreg:$0x0] =	wrdreg $0xFFFFFFFF;
	(pc) =	sbr.abs _section_cstart, $3  }
0xc1: {  	[dreg:$0x1] =	wrdreg $0xFFFFFFFF  }
0xc2: {  	_ =	task.clear_ibuf [dreg:s8], $0x2FFFF;
	_ =	strace $0x9FFFFFFF  }
0xc3: {  	(tm) =	ssettm $0x7FFFFFFF  }
tec
execute0_lowered:
.L_overlay_start_1:
0x0: {  	(tag) =	ssettag $0x1  }
0x1: {  	s25 =	rddreg [dreg:$0x0];
	s2 =	srdreg.scid  }
0x2: {  	s30 =	rddreg [dreg:$0x1];
	s0 =	stileid.u32;
	s31 =	sand.u32 $0x1, s2  }
0x3: {  	s2 =	simm.s32 $0x0;
	s3 =	sshll.u32 s0, $0xF;
	s4 =	sshll.u32 s31, $0xE  }
0x4: {  	[smem:$0x7FF] =	sst s2;
	s26 =	sor.u32 s4, s3  }
0x5: {  	_ =	strace $0x80000047;
	s3 =	sadd.s32 s25, s26;
	s15 =	sor.u32 $0x800, s26  }
0x6: {  	[tilespmem:s2], [sflag:$0x1] =	stream.linear.gather [hbm4b:s3+s2], $0x4000, $0x38;
	[tilespmem:$0x10000] =	vst v63  }
0x7: {  	s5 =	simm.s32 $0x4000;
	s19 =	sor.u32 $0x1000, s26;
	s4 =	sadd.s32 s25, s15  }
0x8: {  	[tilespmem:s5], [sflag:$0x2] =	stream.linear.gather [hbm4b:s4+s2], $0x4000, $0x38;
	[tilespmem:$0x10000] =	vst v63  }
0x9: {  	s7 =	simm.s32 $0x8000;
	s23 =	sor.u32 $0x1800, s26;
	s6 =	sadd.s32 s25, s19  }
0xa: {  	[tilespmem:s7], [sflag:$0x3] =	stream.linear.gather [hbm4b:s6+s2], $0x4000, $0x38;
	[tilespmem:$0x10000] =	vst v63  }
0xb: {  	s9 =	simm.s32 $0xC000;
	s10 =	simm.s32 $0x1;
	s8 =	sadd.s32 s25, s23  }
0xc: {  	[tilespmem:s9], [sflag:$0x4] =	stream.linear.gather [hbm4b:s8+s2], $0x4000, $0x38;
	[tilespmem:$0x10000] =	vst v63  }
0xd: {  	_ =	swait.ge [sflag:s10], $0x4000  }
0xe: {  	[sflag:s10] =	ssyncset.done $0x0  }
0xf: {  	s12 =	simm.s32 $0x5;
	s11 =	sadd.s32 s30, s26;
	[sflag:s10] =	ssyncadd.s32 $0xFFFFC000  }
0x10: {  	[hbm4b:s11+s2] =	stream.linear.scatter [tilespmem:s2], [sflag:$0x5], $0x4000, $0x38;
	[tilespmem:$0x10000] =	vst v63  }
0x11: {  	_ =	swait.ge [sflag:s12], $0x4000  }
0x12: {  	s28 =	sor.u32 $0x2000, s26;
	[sflag:s12] =	ssyncset.done $0x0  }
0x13: {  	s14 =	simm.s32 $0x2;
	s13 =	sadd.s32 s25, s28;
	[sflag:s12] =	ssyncadd.s32 $0xFFFFC000  }
0x14: {  	[tilespmem:s2], [sflag:$0x1] =	stream.linear.gather [hbm4b:s13+s2], $0x4000, $0x38;
	[tilespmem:$0x10000] =	vst v63  }
0x15: {  	_ =	swait.ge [sflag:s14], $0x4000  }
0x16: {  	[sflag:s14] =	ssyncset.done $0x0  }
0x17: {  	s16 =	simm.s32 $0x6;
	s15 =	sadd.s32 s30, s15;
	[sflag:s14] =	ssyncadd.s32 $0xFFFFC000  }
0x18: {  	[hbm4b:s15+s2] =	stream.linear.scatter [tilespmem:s5], [sflag:$0x6], $0x4000, $0x38;
	[tilespmem:$0x10000] =	vst v63  }
0x19: {  	_ =	swait.ge [sflag:s16], $0x4000  }
0x1a: {  	s29 =	sor.u32 $0x2800, s26;
	[sflag:s16] =	ssyncset.done $0x0  }
0x1b: {  	s18 =	simm.s32 $0x3;
	s17 =	sadd.s32 s25, s29;
	[sflag:s16] =	ssyncadd.s32 $0xFFFFC000  }
0x1c: {  	[tilespmem:s5], [sflag:$0x2] =	stream.linear.gather [hbm4b:s17+s2], $0x4000, $0x38;
	[tilespmem:$0x10000] =	vst v63  }
0x1d: {  	_ =	swait.ge [sflag:s18], $0x4000  }
0x1e: {  	[sflag:s18] =	ssyncset.done $0x0  }
0x1f: {  	s20 =	simm.s32 $0x7;
	s19 =	sadd.s32 s30, s19;
	[sflag:s18] =	ssyncadd.s32 $0xFFFFC000  }
0x20: {  	[hbm4b:s19+s2] =	stream.linear.scatter [tilespmem:s7], [sflag:$0x7], $0x4000, $0x38;
	[tilespmem:$0x10000] =	vst v63  }
0x21: {  	_ =	swait.ge [sflag:s20], $0x4000  }
0x22: {  	s0 =	sor.u32 $0x3000, s26;
	[sflag:s20] =	ssyncset.done $0x0  }
0x23: {  	s22 =	simm.s32 $0x4;
	s21 =	sadd.s32 s25, s0;
	[sflag:s20] =	ssyncadd.s32 $0xFFFFC000  }
0x24: {  	[tilespmem:s7], [sflag:$0x3] =	stream.linear.gather [hbm4b:s21+s2], $0x4000, $0x38;
	[tilespmem:$0x10000] =	vst v63  }
0x25: {  	_ =	swait.ge [sflag:s22], $0x4000  }
0x26: {  	[sflag:s22] =	ssyncset.done $0x0  }
0x27: {  	s24 =	simm.s32 $0x8;
	s23 =	sadd.s32 s30, s23;
	[sflag:s22] =	ssyncadd.s32 $0xFFFFC000  }
0x28: {  	[hbm4b:s23+s2] =	stream.linear.scatter [tilespmem:s9], [sflag:$0x8], $0x4000, $0x38;
	[tilespmem:$0x10000] =	vst v63  }
0x29: {  	_ =	swait.ge [sflag:s24], $0x4000  }
0x2a: {  	s1 =	sor.u32 $0x3800, s26;
	[sflag:s24] =	ssyncset.done $0x0  }
0x2b: {  	s25 =	sadd.s32 s25, s1;
	[sflag:s24] =	ssyncadd.s32 $0xFFFFC000  }
0x2c: {  	[tilespmem:s9], [sflag:$0x4] =	stream.linear.gather [hbm4b:s25+s2], $0x4000, $0x38;
	[tilespmem:$0x10000] =	vst v63  }
0x2d: {  	_ =	swait.ge [sflag:s10], $0x4000  }
0x2e: {  	[sflag:s10] =	ssyncset.done $0x0  }
0x2f: {  	s26 =	sadd.s32 s30, s28;
	[sflag:s10] =	ssyncadd.s32 $0xFFFFC000  }
0x30: {  	[hbm4b:s26+s2] =	stream.linear.scatter [tilespmem:s2], [sflag:$0x5], $0x4000, $0x38;
	[tilespmem:$0x10000] =	vst v63  }
0x31: {  	_ =	swait.ge [sflag:s14], $0x4000  }
0x32: {  	[sflag:s14] =	ssyncset.done $0x0  }
0x33: {  	s28 =	sadd.s32 s30, s29;
	[sflag:s14] =	ssyncadd.s32 $0xFFFFC000  }
0x34: {  	[hbm4b:s28+s2] =	stream.linear.scatter [tilespmem:s5], [sflag:$0x6], $0x4000, $0x38;
	[tilespmem:$0x10000] =	vst v63  }
0x35: {  	_ =	swait.ge [sflag:s18], $0x4000  }
0x36: {  	[sflag:s18] =	ssyncset.done $0x0  }
0x37: {  	s29 =	sadd.s32 s30, s0;
	[sflag:s18] =	ssyncadd.s32 $0xFFFFC000  }
0x38: {  	[hbm4b:s29+s2] =	stream.linear.scatter [tilespmem:s7], [sflag:$0x7], $0x4000, $0x38;
	[tilespmem:$0x10000] =	vst v63  }
0x39: {  	_ =	swait.ge [sflag:s22], $0x4000  }
0x3a: {  	[sflag:s22] =	ssyncset.done $0x0  }
0x3b: {  	s30 =	sadd.s32 s30, s1;
	[sflag:s22] =	ssyncadd.s32 $0xFFFFC000  }
0x3c: {  	[hbm4b:s30+s2] =	stream.linear.scatter [tilespmem:s9], [sflag:$0x8], $0x4000, $0x38;
	[tilespmem:$0x10000] =	vst v63  }
0x3d: {  	_ =	swait.ge [sflag:s12], $0x4000  }
0x3e: {  	s0 =	ssub.s32 $0x2, s31;
	[sflag:s12] =	ssyncset.done $0x0  }
0x3f: {  	s1 =	sshrl.u32 s0, $0x1;
	[sflag:s12] =	ssyncadd.s32 $0xFFFFC000  }
0x40: {  	s0 =	ssub.s32 s0, s1;
	_ =	swait.ge [sflag:s16], $0x4000  }
0x41: {  	s0 =	smax.u32 s0, $0x1;
	[sflag:s16] =	ssyncset.done $0x0  }
0x42: {  	p0 =	sne.s32 s0, $0x1;
	[sflag:s16] =	ssyncadd.s32 $0xFFFFC000  }
.Ltmp0:
0x43: {  	_ =	swait.ge [sflag:s20], $0x4000;
	(pc) =	sbr.rel @!p0 .LBB2_2-.Ltmp0, $4  }
0x44: {  	[sflag:s20] =	ssyncset.done $0x0  }
0x45: {  	[sflag:s20] =	ssyncadd.s32 $0xFFFFC000  }
0x46: {  	_ =	swait.ge [sflag:s24], $0x4000  }
0x47: {  	s31 =	sadd.s32 $0xFFFFFFFF, s0;
	[sflag:s24] =	ssyncset.done $0x0  }
.LBB2_1:
0x48: {  	p0 =	sne.s32 s31, $0x1;
	s31 =	sadd.s32 $0xFFFFFFFF, s31;
	[sflag:s24] =	ssyncadd.s32 $0xFFFFC000  }
0x49: {  	[tilespmem:s2], [sflag:$0x1] =	stream.linear.gather [hbm4b:s3+s2], $0x4000, $0x38;
	[tilespmem:$0x10000] =	vst v63  }
0x4a: {  	_ = 	snop  }
0x4b: {  	[tilespmem:s5], [sflag:$0x2] =	stream.linear.gather [hbm4b:s4+s2], $0x4000, $0x38;
	[tilespmem:$0x10000] =	vst v63  }
0x4c: {  	_ = 	snop  }
0x4d: {  	[tilespmem:s7], [sflag:$0x3] =	stream.linear.gather [hbm4b:s6+s2], $0x4000, $0x38;
	[tilespmem:$0x10000] =	vst v63  }
0x4e: {  	_ = 	snop  }
0x4f: {  	[tilespmem:s9], [sflag:$0x4] =	stream.linear.gather [hbm4b:s8+s2], $0x4000, $0x38;
	[tilespmem:$0x10000] =	vst v63  }
0x50: {  	_ =	swait.ge [sflag:s10], $0x4000  }
0x51: {  	[sflag:s10] =	ssyncset.done $0x0  }
0x52: {  	[sflag:s10] =	ssyncadd.s32 $0xFFFFC000  }
0x53: {  	[hbm4b:s11+s2] =	stream.linear.scatter [tilespmem:s2], [sflag:$0x5], $0x4000, $0x38;
	[tilespmem:$0x10000] =	vst v63  }
0x54: {  	_ =	swait.ge [sflag:s12], $0x4000  }
0x55: {  	[sflag:s12] =	ssyncset.done $0x0  }
0x56: {  	[sflag:s12] =	ssyncadd.s32 $0xFFFFC000  }
0x57: {  	[tilespmem:s2], [sflag:$0x1] =	stream.linear.gather [hbm4b:s13+s2], $0x4000, $0x38;
	[tilespmem:$0x10000] =	vst v63  }
0x58: {  	_ =	swait.ge [sflag:s14], $0x4000  }
0x59: {  	[sflag:s14] =	ssyncset.done $0x0  }
0x5a: {  	[sflag:s14] =	ssyncadd.s32 $0xFFFFC000  }
0x5b: {  	[hbm4b:s15+s2] =	stream.linear.scatter [tilespmem:s5], [sflag:$0x6], $0x4000, $0x38;
	[tilespmem:$0x10000] =	vst v63  }
0x5c: {  	_ =	swait.ge [sflag:s16], $0x4000  }
0x5d: {  	[sflag:s16] =	ssyncset.done $0x0  }
0x5e: {  	[sflag:s16] =	ssyncadd.s32 $0xFFFFC000  }
0x5f: {  	[tilespmem:s5], [sflag:$0x2] =	stream.linear.gather [hbm4b:s17+s2], $0x4000, $0x38;
	[tilespmem:$0x10000] =	vst v63  }
0x60: {  	_ =	swait.ge [sflag:s18], $0x4000  }
0x61: {  	[sflag:s18] =	ssyncset.done $0x0  }
0x62: {  	[sflag:s18] =	ssyncadd.s32 $0xFFFFC000  }
0x63: {  	[hbm4b:s19+s2] =	stream.linear.scatter [tilespmem:s7], [sflag:$0x7], $0x4000, $0x38;
	[tilespmem:$0x10000] =	vst v63  }
0x64: {  	_ =	swait.ge [sflag:s20], $0x4000  }
0x65: {  	[sflag:s20] =	ssyncset.done $0x0  }
0x66: {  	[sflag:s20] =	ssyncadd.s32 $0xFFFFC000  }
0x67: {  	[tilespmem:s7], [sflag:$0x3] =	stream.linear.gather [hbm4b:s21+s2], $0x4000, $0x38;
	[tilespmem:$0x10000] =	vst v63  }
0x68: {  	_ =	swait.ge [sflag:s22], $0x4000  }
0x69: {  	[sflag:s22] =	ssyncset.done $0x0  }
0x6a: {  	[sflag:s22] =	ssyncadd.s32 $0xFFFFC000  }
0x6b: {  	[hbm4b:s23+s2] =	stream.linear.scatter [tilespmem:s9], [sflag:$0x8], $0x4000, $0x38;
	[tilespmem:$0x10000] =	vst v63  }
0x6c: {  	_ =	swait.ge [sflag:s24], $0x4000  }
0x6d: {  	[sflag:s24] =	ssyncset.done $0x0  }
0x6e: {  	[sflag:s24] =	ssyncadd.s32 $0xFFFFC000  }
0x6f: {  	[tilespmem:s9], [sflag:$0x4] =	stream.linear.gather [hbm4b:s25+s2], $0x4000, $0x38;
	[tilespmem:$0x10000] =	vst v63  }
0x70: {  	_ =	swait.ge [sflag:s10], $0x4000  }
0x71: {  	[sflag:s10] =	ssyncset.done $0x0  }
0x72: {  	[sflag:s10] =	ssyncadd.s32 $0xFFFFC000  }
0x73: {  	[hbm4b:s26+s2] =	stream.linear.scatter [tilespmem:s2], [sflag:$0x5], $0x4000, $0x38;
	[tilespmem:$0x10000] =	vst v63  }
0x74: {  	_ =	swait.ge [sflag:s14], $0x4000  }
0x75: {  	[sflag:s14] =	ssyncset.done $0x0  }
0x76: {  	[sflag:s14] =	ssyncadd.s32 $0xFFFFC000  }
0x77: {  	[hbm4b:s28+s2] =	stream.linear.scatter [tilespmem:s5], [sflag:$0x6], $0x4000, $0x38;
	[tilespmem:$0x10000] =	vst v63  }
0x78: {  	_ =	swait.ge [sflag:s18], $0x4000  }
0x79: {  	[sflag:s18] =	ssyncset.done $0x0  }
0x7a: {  	[sflag:s18] =	ssyncadd.s32 $0xFFFFC000  }
0x7b: {  	[hbm4b:s29+s2] =	stream.linear.scatter [tilespmem:s7], [sflag:$0x7], $0x4000, $0x38;
	[tilespmem:$0x10000] =	vst v63  }
0x7c: {  	_ =	swait.ge [sflag:s22], $0x4000  }
0x7d: {  	[sflag:s22] =	ssyncset.done $0x0  }
0x7e: {  	[sflag:s22] =	ssyncadd.s32 $0xFFFFC000  }
0x7f: {  	[hbm4b:s30+s2] =	stream.linear.scatter [tilespmem:s9], [sflag:$0x8], $0x4000, $0x38;
	[tilespmem:$0x10000] =	vst v63  }
0x80: {  	_ =	swait.ge [sflag:s12], $0x4000  }
0x81: {  	[sflag:s12] =	ssyncset.done $0x0  }
0x82: {  	[sflag:s12] =	ssyncadd.s32 $0xFFFFC000  }
0x83: {  	_ =	swait.ge [sflag:s16], $0x4000  }
0x84: {  	[sflag:s16] =	ssyncset.done $0x0  }
0x85: {  	[sflag:s16] =	ssyncadd.s32 $0xFFFFC000  }
.Ltmp1:
0x86: {  	_ =	swait.ge [sflag:s20], $0x4000;
	(pc) =	sbr.rel @p0 .LBB2_1-.Ltmp1, $4  }
0x87: {  	[sflag:s20] =	ssyncset.done $0x0  }
0x88: {  	[sflag:s20] =	ssyncadd.s32 $0xFFFFC000  }
0x89: {  	_ =	swait.ge [sflag:s24], $0x4000  }
0x8a: {  	[sflag:s24] =	ssyncset.done $0x0  }
.LBB2_2:
0x8b: {  	[sflag:s24] =	ssyncadd.s32 $0xFFFFC000  }
0x8c: {  	_ =	sfence.sel $0x180000  }
0x8d: {  	[bflag:$0x0] =	sbarrier.arrive $0xFFFF  }
0x8e: {  	_ =	strace $0x90000047  }
0x8f: {  	s0 =	stileid.u32;
	[bflag:$0x2] =	sbarrier.arrive $0xFFFF  }
0x90: {  	p0 =	sne.s32 s0, $0x0;
	s0 =	rddreg [dreg:$0x2]  }
0x91: {  	s0 =	sadd.s32 @!p0 $0x100000, s0  }
0x92: {  	[sflag:s0] =	ssyncadd.tile.s32 @!p0 $0x1;
	_ =	shalt  }
.Lfunc_end2:
_tile_overlayer_lowered:
.L_overlay_start_2:
0x93: {  	(tag) =	ssettag $0x2  }
0x94: {  	s0 =	rddreg [dreg:$0x0];
	s2 =	stileid.u32  }
0x95: {  	s1 =	rddreg [dreg:$0x1];
	p0 =	sne.s32 s2, $0x0  }
0x96: {  	s3 =	rddreg [dreg:$0x2];
	[bflag:$0x3] =	sbarrier.arrive $0xFFFF;
	s2 =	simm.s32 @!p0 $0x1C09  }
0x97: {  	[timem:s3], [sflag:s2] =	dma.local @!p0 [hbm:s0], s1  }
0x98: {  	s0 =	simm.s32 @!p0 $0x9  }
0x99: {  	_ =	swait.ge @!p0 [sflag:s0], s1  }
0x9a: {  	s1 =	ssub.s32 @!p0 $0x0, s1;
	[sflag:s0] =	ssyncset.done @!p0 $0x0  }
0x9b: {  	[sflag:s0] =	ssyncadd.s32 @!p0 s1  }
0x9c: {  	[bflag:$0x3] =	sbarrier.arrive $0xFFFF  }
0x9d: {  	_ =	shalt  }

</sc_bundles>
